<compile_context>
chip_gen: v7x
topology: tpu7x:2x2x1
jax: 0.10.2.dev20260603
libtpu: 0.0.44.dev20260713+nightly
codegen_flags: <defaults>
</compile_context>

<pallas_src>
import functools

import jax
import jax.numpy as jnp
from jax import lax
from jax.experimental import pallas as pl
from jax.experimental.pallas import tpu as pltpu
from jax.experimental.pallas import tpu_sc as plsc

N_IDS = 16384
NUM_CORES = 2
NUM_SUBCORES = 16
NUM_WORKERS = NUM_CORES * NUM_SUBCORES
ROWS_PER_WORKER = N_IDS // NUM_WORKERS

GATHER_WIDTHS = (128, 128, 128)
CHUNK = ROWS_PER_WORKER // 2
OUT_D = 128

CONCAT_ROWS = 2048


def _sc_gather(ids_by_axis, table):
    b = ROWS_PER_WORKER
    mesh = plsc.VectorSubcoreMesh(core_axis_name="c", subcore_axis_name="s")

    scratch = [pltpu.VMEM((b,), jnp.int32) for _ in range(3)]
    scratch += [pltpu.VMEM((CHUNK, 128), jnp.float32) for _ in range(3)]
    scratch += [pltpu.SemaphoreType.DMA]

    @functools.partial(
        pl.kernel,
        out_type=tuple(
            jax.ShapeDtypeStruct((N_IDS, w), jnp.float32)
            for w in GATHER_WIDTHS
        ),
        mesh=mesh,
        scratch_types=scratch,
        compiler_params=pltpu.CompilerParams(use_tc_tiling_on_sc=False),
    )
    def body(ids0_hbm, ids1_hbm, ids2_hbm, tab,
             o0, o1, o2, i0, i1, i2, b0, b1, b2, sem):
        wid = lax.axis_index("s") * NUM_CORES + lax.axis_index("c")
        base = wid * b
        idxs = (i0, i1, i2)
        for ax, ids_hbm in enumerate((ids0_hbm, ids1_hbm, ids2_hbm)):
            pltpu.sync_copy(ids_hbm.at[pl.ds(base, b)], idxs[ax])
        for half in range(2):
            lo = half * CHUNK
            copies = []
            for buf, idx in zip((b0, b1, b2), idxs):
                copies.append(pltpu.async_copy(
                    tab.at[idx.at[pl.ds(lo, CHUNK)]], buf, sem))
            for cp in copies:
                cp.wait()
            for buf, out in zip((b0, b1, b2), (o0, o1, o2)):
                pltpu.sync_copy(buf, out.at[pl.ds(base + lo, CHUNK), :])

    return body(*ids_by_axis, table)


def _tc_shuffle(parts):
    def body(g0, g1, g2, out_ref):
        out_ref[...] = jnp.concatenate(
            [
                g0[:, 0:8],
                g1[:, 16:44],
                g2[:, 72:100],
                g0[:, 8:16],
                g1[:, 44:72],
                g2[:, 100:128],
            ],
            axis=-1,
        )

    grid = (N_IDS // CONCAT_ROWS,)
    in_specs = [
        pl.BlockSpec((CONCAT_ROWS, w), lambda i: (i, 0))
        for w in GATHER_WIDTHS
    ]
    return pl.pallas_call(
        body,
        out_shape=jax.ShapeDtypeStruct((N_IDS, OUT_D), jnp.float32),
        grid=grid,
        in_specs=in_specs,
        out_specs=pl.BlockSpec((CONCAT_ROWS, OUT_D), lambda i: (i, 0)),
    )(*parts)


def kernel(ids, cos_0, cos_1, cos_2, sin_0, sin_1, sin_2):
    ids_by_axis = (ids[:, 0], ids[:, 1], ids[:, 2])
    table = jnp.concatenate([cos_0, sin_0, cos_1, sin_1, cos_2, sin_2],
                            axis=1)
    parts = _sc_gather(ids_by_axis, table)
    return _tc_shuffle(parts)

# --- scband reference (transcript-rebuilt; emitter-appended) ---
"""Pipeline reference for scband-real-rope-embedder-30047591202850 (READ-ONLY COPY).

The authoritative reference and input builder live on the scoring server;
editing this copy changes nothing except your own understanding.
"""

import jax, jax.numpy as jnp
import numpy as np

THETA = 10000.0
AXES_DIMS = [16, 56, 56]
AXES_LENS = [8192, 8192, 8192]
N_IDS = 16384


def _make_tables():
    tabs = {}
    for i, (d, e) in enumerate(zip(AXES_DIMS, AXES_LENS)):
        freqs = 1.0 / THETA ** (np.arange(0, d, 2, dtype=np.float64) / d)
        timestep = np.arange(e, dtype=np.float64)
        f = np.outer(timestep, freqs).astype(np.float32)
        tabs['cos_%d' % i] = jnp.asarray(np.cos(f), dtype=jnp.float32)
        tabs['sin_%d' % i] = jnp.asarray(np.sin(f), dtype=jnp.float32)
    return tabs


def setup_inputs(seed: int = 0) -> dict:
    key = jax.random.key(seed)
    ids = jax.random.randint(key, (N_IDS, 3), 0, AXES_LENS[0], dtype=jnp.int32)
    inp = {'ids': ids}
    inp.update(_make_tables())
    return inp


def reference(ids, cos_0, cos_1, cos_2, sin_0, sin_1, sin_2):
    # Faithful translation of RealRopeEmbedder.forward: six gathers + concat
    return jnp.concatenate([
        jnp.take(cos_0, ids[:, 0], axis=0),
        jnp.take(cos_1, ids[:, 1], axis=0),
        jnp.take(cos_2, ids[:, 2], axis=0),
        jnp.take(sin_0, ids[:, 0], axis=0),
        jnp.take(sin_1, ids[:, 1], axis=0),
        jnp.take(sin_2, ids[:, 2], axis=0),
    ], axis=-1)

if __name__ == "__main__":
    import jax
    _d = setup_inputs()
    print(jax.jit(kernel)(*tuple(_d.values())))

</pallas_src>

<mosaic_0001>
#map = affine_map<(d0, d1) -> (0)>
#map1 = affine_map<(d0, d1) -> (0, 0)>
module attributes {stable_mosaic.version = 14 : i64} {
  func.func @body(%arg0: i32, %arg1: i32, %arg2: memref<16384xi32, #tpu.memory_space<hbm>>, %arg3: memref<16384xi32, #tpu.memory_space<hbm>>, %arg4: memref<16384xi32, #tpu.memory_space<hbm>>, %arg5: memref<8192x128xf32, #tpu.memory_space<hbm>>, %arg6: memref<16384x128xf32, #tpu.memory_space<hbm>>, %arg7: memref<16384x128xf32, #tpu.memory_space<hbm>>, %arg8: memref<16384x128xf32, #tpu.memory_space<hbm>>, %arg9: memref<512xi32, #tpu.memory_space<vmem>>, %arg10: memref<512xi32, #tpu.memory_space<vmem>>, %arg11: memref<512xi32, #tpu.memory_space<vmem>>, %arg12: memref<256x128xf32, #tpu.memory_space<vmem>>, %arg13: memref<256x128xf32, #tpu.memory_space<vmem>>, %arg14: memref<256x128xf32, #tpu.memory_space<vmem>>, %arg15: memref<!tpu.dma_semaphore, #tpu.memory_space<semaphore_mem>>) attributes {dimension_semantics = [#tpu.dimension_semantics<core_parallel>, #tpu.dimension_semantics<subcore_parallel>], iteration_bounds = array<i64: 2, 16>, scalar_prefetch = 0 : i64, scratch_operands = 7 : i64, tpu.core_type = #tpu.core_type<sc_vector_subcore>, window_params = [{transform_indices = #map}, {transform_indices = #map}, {transform_indices = #map}, {transform_indices = #map1}, {transform_indices = #map1}, {transform_indices = #map1}, {transform_indices = #map1}]} {
    %mul3A = arith.constant 2 : i32
    %mul3A_0 = arith.muli %arg1, %mul3A : i32
    %add3A = arith.addi %mul3A_0, %arg0 : i32
    %mul3A_1 = arith.constant 512 : i32
    %mul3A_2 = arith.muli %add3A, %mul3A_1 : i32
    "tpu.region"() ({
      %run_scoped3A = tpu.sem_alloc : memref<!tpu.dma_semaphore, #tpu.memory_space<semaphore_mem>>
      %dma_start3A_73 = tpu.memref_slice %arg2[%mul3A_2] : memref<16384xi32, #tpu.memory_space<hbm>> -> memref<512xi32, #tpu.memory_space<hbm>>
      %dma_start3A_74 = tpu.memref_slice %arg2[%mul3A_2] : memref<16384xi32, #tpu.memory_space<hbm>> -> memref<512xi32, #tpu.memory_space<hbm>>
      tpu.enqueue_dma source(%dma_start3A_74 : memref<512xi32, #tpu.memory_space<hbm>>) target(%arg9 : memref<512xi32, #tpu.memory_space<vmem>>) target_semaphore(%run_scoped3A : memref<!tpu.dma_semaphore, #tpu.memory_space<semaphore_mem>>)
      %dma_wait3A_75 = tpu.memref_slice %arg2[%mul3A_2] : memref<16384xi32, #tpu.memory_space<hbm>> -> memref<512xi32, #tpu.memory_space<hbm>>
      %dma_wait3A_76 = tpu.memref_slice %arg2[%mul3A_2] : memref<16384xi32, #tpu.memory_space<hbm>> -> memref<512xi32, #tpu.memory_space<hbm>>
      tpu.wait_dma2 semaphore(%run_scoped3A : memref<!tpu.dma_semaphore, #tpu.memory_space<semaphore_mem>>) src(%dma_wait3A_76 : memref<512xi32, #tpu.memory_space<hbm>>) dst(%arg9 : memref<512xi32, #tpu.memory_space<vmem>>)
      tpu.yield
    }) : () -> ()
    "tpu.region"() ({
      %run_scoped3A = tpu.sem_alloc : memref<!tpu.dma_semaphore, #tpu.memory_space<semaphore_mem>>
      %dma_start3A_73 = tpu.memref_slice %arg3[%mul3A_2] : memref<16384xi32, #tpu.memory_space<hbm>> -> memref<512xi32, #tpu.memory_space<hbm>>
      %dma_start3A_74 = tpu.memref_slice %arg3[%mul3A_2] : memref<16384xi32, #tpu.memory_space<hbm>> -> memref<512xi32, #tpu.memory_space<hbm>>
      tpu.enqueue_dma source(%dma_start3A_74 : memref<512xi32, #tpu.memory_space<hbm>>) target(%arg10 : memref<512xi32, #tpu.memory_space<vmem>>) target_semaphore(%run_scoped3A : memref<!tpu.dma_semaphore, #tpu.memory_space<semaphore_mem>>)
      %dma_wait3A_75 = tpu.memref_slice %arg3[%mul3A_2] : memref<16384xi32, #tpu.memory_space<hbm>> -> memref<512xi32, #tpu.memory_space<hbm>>
      %dma_wait3A_76 = tpu.memref_slice %arg3[%mul3A_2] : memref<16384xi32, #tpu.memory_space<hbm>> -> memref<512xi32, #tpu.memory_space<hbm>>
      tpu.wait_dma2 semaphore(%run_scoped3A : memref<!tpu.dma_semaphore, #tpu.memory_space<semaphore_mem>>) src(%dma_wait3A_76 : memref<512xi32, #tpu.memory_space<hbm>>) dst(%arg10 : memref<512xi32, #tpu.memory_space<vmem>>)
      tpu.yield
    }) : () -> ()
    "tpu.region"() ({
      %run_scoped3A = tpu.sem_alloc : memref<!tpu.dma_semaphore, #tpu.memory_space<semaphore_mem>>
      %dma_start3A_73 = tpu.memref_slice %arg4[%mul3A_2] : memref<16384xi32, #tpu.memory_space<hbm>> -> memref<512xi32, #tpu.memory_space<hbm>>
      %dma_start3A_74 = tpu.memref_slice %arg4[%mul3A_2] : memref<16384xi32, #tpu.memory_space<hbm>> -> memref<512xi32, #tpu.memory_space<hbm>>
      tpu.enqueue_dma source(%dma_start3A_74 : memref<512xi32, #tpu.memory_space<hbm>>) target(%arg11 : memref<512xi32, #tpu.memory_space<vmem>>) target_semaphore(%run_scoped3A : memref<!tpu.dma_semaphore, #tpu.memory_space<semaphore_mem>>)
      %dma_wait3A_75 = tpu.memref_slice %arg4[%mul3A_2] : memref<16384xi32, #tpu.memory_space<hbm>> -> memref<512xi32, #tpu.memory_space<hbm>>
      %dma_wait3A_76 = tpu.memref_slice %arg4[%mul3A_2] : memref<16384xi32, #tpu.memory_space<hbm>> -> memref<512xi32, #tpu.memory_space<hbm>>
      tpu.wait_dma2 semaphore(%run_scoped3A : memref<!tpu.dma_semaphore, #tpu.memory_space<semaphore_mem>>) src(%dma_wait3A_76 : memref<512xi32, #tpu.memory_space<hbm>>) dst(%arg11 : memref<512xi32, #tpu.memory_space<vmem>>)
      tpu.yield
    }) : () -> ()
    %dma_start3A = arith.constant 0 : i32
    %dma_start3A_3 = tpu.memref_slice %arg9[%dma_start3A] : memref<512xi32, #tpu.memory_space<vmem>> -> memref<256xi32, #tpu.memory_space<vmem>>
    %dma_start3A_4 = arith.constant 0 : i32
    %dma_start3A_5 = arith.constant 0 : i32
    %dma_start3A_6 = tpu.memref_slice %arg5[%dma_start3A_4, %dma_start3A_5] : memref<8192x128xf32, #tpu.memory_space<hbm>> -> memref<8192x128xf32, #tpu.memory_space<hbm>>
    tpu.enqueue_indirect_dma source(%dma_start3A_6 : memref<8192x128xf32, #tpu.memory_space<hbm>>) target(%arg12 : memref<256x128xf32, #tpu.memory_space<vmem>>) offsets(%dma_start3A_3 : memref<256xi32, #tpu.memory_space<vmem>>) semaphore(%arg15 : memref<!tpu.dma_semaphore, #tpu.memory_space<semaphore_mem>>)
    %dma_start3A_7 = arith.constant 0 : i32
    %dma_start3A_8 = tpu.memref_slice %arg10[%dma_start3A_7] : memref<512xi32, #tpu.memory_space<vmem>> -> memref<256xi32, #tpu.memory_space<vmem>>
    %dma_start3A_9 = arith.constant 0 : i32
    %dma_start3A_10 = arith.constant 0 : i32
    %dma_start3A_11 = tpu.memref_slice %arg5[%dma_start3A_9, %dma_start3A_10] : memref<8192x128xf32, #tpu.memory_space<hbm>> -> memref<8192x128xf32, #tpu.memory_space<hbm>>
    tpu.enqueue_indirect_dma source(%dma_start3A_11 : memref<8192x128xf32, #tpu.memory_space<hbm>>) target(%arg13 : memref<256x128xf32, #tpu.memory_space<vmem>>) offsets(%dma_start3A_8 : memref<256xi32, #tpu.memory_space<vmem>>) semaphore(%arg15 : memref<!tpu.dma_semaphore, #tpu.memory_space<semaphore_mem>>)
    %dma_start3A_12 = arith.constant 0 : i32
    %dma_start3A_13 = tpu.memref_slice %arg11[%dma_start3A_12] : memref<512xi32, #tpu.memory_space<vmem>> -> memref<256xi32, #tpu.memory_space<vmem>>
    %dma_start3A_14 = arith.constant 0 : i32
    %dma_start3A_15 = arith.constant 0 : i32
    %dma_start3A_16 = tpu.memref_slice %arg5[%dma_start3A_14, %dma_start3A_15] : memref<8192x128xf32, #tpu.memory_space<hbm>> -> memref<8192x128xf32, #tpu.memory_space<hbm>>
    tpu.enqueue_indirect_dma source(%dma_start3A_16 : memref<8192x128xf32, #tpu.memory_space<hbm>>) target(%arg14 : memref<256x128xf32, #tpu.memory_space<vmem>>) offsets(%dma_start3A_13 : memref<256xi32, #tpu.memory_space<vmem>>) semaphore(%arg15 : memref<!tpu.dma_semaphore, #tpu.memory_space<semaphore_mem>>)
    %dma_wait3A = arith.constant 0 : i32
    %dma_wait3A_17 = tpu.memref_slice %arg9[%dma_wait3A] : memref<512xi32, #tpu.memory_space<vmem>> -> memref<256xi32, #tpu.memory_space<vmem>>
    %dma_wait3A_18 = arith.constant 0 : i32
    %dma_wait3A_19 = arith.constant 0 : i32
    %dma_wait3A_20 = tpu.memref_slice %arg5[%dma_wait3A_18, %dma_wait3A_19] : memref<8192x128xf32, #tpu.memory_space<hbm>> -> memref<8192x128xf32, #tpu.memory_space<hbm>>
    tpu.wait_indirect_dma semaphore(%arg15 : memref<!tpu.dma_semaphore, #tpu.memory_space<semaphore_mem>>) src(%dma_wait3A_20 : memref<8192x128xf32, #tpu.memory_space<hbm>>) dst(%arg12 : memref<256x128xf32, #tpu.memory_space<vmem>>)
    %dma_wait3A_21 = arith.constant 0 : i32
    %dma_wait3A_22 = tpu.memref_slice %arg10[%dma_wait3A_21] : memref<512xi32, #tpu.memory_space<vmem>> -> memref<256xi32, #tpu.memory_space<vmem>>
    %dma_wait3A_23 = arith.constant 0 : i32
    %dma_wait3A_24 = arith.constant 0 : i32
    %dma_wait3A_25 = tpu.memref_slice %arg5[%dma_wait3A_23, %dma_wait3A_24] : memref<8192x128xf32, #tpu.memory_space<hbm>> -> memref<8192x128xf32, #tpu.memory_space<hbm>>
    tpu.wait_indirect_dma semaphore(%arg15 : memref<!tpu.dma_semaphore, #tpu.memory_space<semaphore_mem>>) src(%dma_wait3A_25 : memref<8192x128xf32, #tpu.memory_space<hbm>>) dst(%arg13 : memref<256x128xf32, #tpu.memory_space<vmem>>)
    %dma_wait3A_26 = arith.constant 0 : i32
    %dma_wait3A_27 = tpu.memref_slice %arg11[%dma_wait3A_26] : memref<512xi32, #tpu.memory_space<vmem>> -> memref<256xi32, #tpu.memory_space<vmem>>
    %dma_wait3A_28 = arith.constant 0 : i32
    %dma_wait3A_29 = arith.constant 0 : i32
    %dma_wait3A_30 = tpu.memref_slice %arg5[%dma_wait3A_28, %dma_wait3A_29] : memref<8192x128xf32, #tpu.memory_space<hbm>> -> memref<8192x128xf32, #tpu.memory_space<hbm>>
    tpu.wait_indirect_dma semaphore(%arg15 : memref<!tpu.dma_semaphore, #tpu.memory_space<semaphore_mem>>) src(%dma_wait3A_30 : memref<8192x128xf32, #tpu.memory_space<hbm>>) dst(%arg14 : memref<256x128xf32, #tpu.memory_space<vmem>>)
    %add3A_31 = arith.constant 0 : i32
    %add3A_32 = arith.addi %mul3A_2, %add3A_31 : i32
    "tpu.region"() ({
      %run_scoped3A = tpu.sem_alloc : memref<!tpu.dma_semaphore, #tpu.memory_space<semaphore_mem>>
      %dma_start3A_73 = arith.constant 0 : i32
      %dma_start3A_74 = tpu.memref_slice %arg6[%add3A_32, %dma_start3A_73] : memref<16384x128xf32, #tpu.memory_space<hbm>> -> memref<256x128xf32, #tpu.memory_space<hbm>>
      %dma_start3A_75 = arith.constant 0 : i32
      %dma_start3A_76 = tpu.memref_slice %arg6[%add3A_32, %dma_start3A_75] : memref<16384x128xf32, #tpu.memory_space<hbm>> -> memref<256x128xf32, #tpu.memory_space<hbm>>
      tpu.enqueue_dma source(%arg12 : memref<256x128xf32, #tpu.memory_space<vmem>>) target(%dma_start3A_76 : memref<256x128xf32, #tpu.memory_space<hbm>>) target_semaphore(%run_scoped3A : memref<!tpu.dma_semaphore, #tpu.memory_space<semaphore_mem>>)
      %dma_wait3A_77 = arith.constant 0 : i32
      %dma_wait3A_78 = tpu.memref_slice %arg6[%add3A_32, %dma_wait3A_77] : memref<16384x128xf32, #tpu.memory_space<hbm>> -> memref<256x128xf32, #tpu.memory_space<hbm>>
      %dma_wait3A_79 = arith.constant 0 : i32
      %dma_wait3A_80 = tpu.memref_slice %arg6[%add3A_32, %dma_wait3A_79] : memref<16384x128xf32, #tpu.memory_space<hbm>> -> memref<256x128xf32, #tpu.memory_space<hbm>>
      tpu.wait_dma2 semaphore(%run_scoped3A : memref<!tpu.dma_semaphore, #tpu.memory_space<semaphore_mem>>) src(%arg12 : memref<256x128xf32, #tpu.memory_space<vmem>>) dst(%dma_wait3A_80 : memref<256x128xf32, #tpu.memory_space<hbm>>)
      tpu.yield
    }) : () -> ()
    %add3A_33 = arith.constant 0 : i32
    %add3A_34 = arith.addi %mul3A_2, %add3A_33 : i32
    "tpu.region"() ({
      %run_scoped3A = tpu.sem_alloc : memref<!tpu.dma_semaphore, #tpu.memory_space<semaphore_mem>>
      %dma_start3A_73 = arith.constant 0 : i32
      %dma_start3A_74 = tpu.memref_slice %arg7[%add3A_34, %dma_start3A_73] : memref<16384x128xf32, #tpu.memory_space<hbm>> -> memref<256x128xf32, #tpu.memory_space<hbm>>
      %dma_start3A_75 = arith.constant 0 : i32
      %dma_start3A_76 = tpu.memref_slice %arg7[%add3A_34, %dma_start3A_75] : memref<16384x128xf32, #tpu.memory_space<hbm>> -> memref<256x128xf32, #tpu.memory_space<hbm>>
      tpu.enqueue_dma source(%arg13 : memref<256x128xf32, #tpu.memory_space<vmem>>) target(%dma_start3A_76 : memref<256x128xf32, #tpu.memory_space<hbm>>) target_semaphore(%run_scoped3A : memref<!tpu.dma_semaphore, #tpu.memory_space<semaphore_mem>>)
      %dma_wait3A_77 = arith.constant 0 : i32
      %dma_wait3A_78 = tpu.memref_slice %arg7[%add3A_34, %dma_wait3A_77] : memref<16384x128xf32, #tpu.memory_space<hbm>> -> memref<256x128xf32, #tpu.memory_space<hbm>>
      %dma_wait3A_79 = arith.constant 0 : i32
      %dma_wait3A_80 = tpu.memref_slice %arg7[%add3A_34, %dma_wait3A_79] : memref<16384x128xf32, #tpu.memory_space<hbm>> -> memref<256x128xf32, #tpu.memory_space<hbm>>
      tpu.wait_dma2 semaphore(%run_scoped3A : memref<!tpu.dma_semaphore, #tpu.memory_space<semaphore_mem>>) src(%arg13 : memref<256x128xf32, #tpu.memory_space<vmem>>) dst(%dma_wait3A_80 : memref<256x128xf32, #tpu.memory_space<hbm>>)
      tpu.yield
    }) : () -> ()
    %add3A_35 = arith.constant 0 : i32
    %add3A_36 = arith.addi %mul3A_2, %add3A_35 : i32
    "tpu.region"() ({
      %run_scoped3A = tpu.sem_alloc : memref<!tpu.dma_semaphore, #tpu.memory_space<semaphore_mem>>
      %dma_start3A_73 = arith.constant 0 : i32
      %dma_start3A_74 = tpu.memref_slice %arg8[%add3A_36, %dma_start3A_73] : memref<16384x128xf32, #tpu.memory_space<hbm>> -> memref<256x128xf32, #tpu.memory_space<hbm>>
      %dma_start3A_75 = arith.constant 0 : i32
      %dma_start3A_76 = tpu.memref_slice %arg8[%add3A_36, %dma_start3A_75] : memref<16384x128xf32, #tpu.memory_space<hbm>> -> memref<256x128xf32, #tpu.memory_space<hbm>>
      tpu.enqueue_dma source(%arg14 : memref<256x128xf32, #tpu.memory_space<vmem>>) target(%dma_start3A_76 : memref<256x128xf32, #tpu.memory_space<hbm>>) target_semaphore(%run_scoped3A : memref<!tpu.dma_semaphore, #tpu.memory_space<semaphore_mem>>)
      %dma_wait3A_77 = arith.constant 0 : i32
      %dma_wait3A_78 = tpu.memref_slice %arg8[%add3A_36, %dma_wait3A_77] : memref<16384x128xf32, #tpu.memory_space<hbm>> -> memref<256x128xf32, #tpu.memory_space<hbm>>
      %dma_wait3A_79 = arith.constant 0 : i32
      %dma_wait3A_80 = tpu.memref_slice %arg8[%add3A_36, %dma_wait3A_79] : memref<16384x128xf32, #tpu.memory_space<hbm>> -> memref<256x128xf32, #tpu.memory_space<hbm>>
      tpu.wait_dma2 semaphore(%run_scoped3A : memref<!tpu.dma_semaphore, #tpu.memory_space<semaphore_mem>>) src(%arg14 : memref<256x128xf32, #tpu.memory_space<vmem>>) dst(%dma_wait3A_80 : memref<256x128xf32, #tpu.memory_space<hbm>>)
      tpu.yield
    }) : () -> ()
    %dma_start3A_37 = arith.constant 256 : i32
    %dma_start3A_38 = tpu.memref_slice %arg9[%dma_start3A_37] : memref<512xi32, #tpu.memory_space<vmem>> -> memref<256xi32, #tpu.memory_space<vmem>>
    %dma_start3A_39 = arith.constant 0 : i32
    %dma_start3A_40 = arith.constant 0 : i32
    %dma_start3A_41 = tpu.memref_slice %arg5[%dma_start3A_39, %dma_start3A_40] : memref<8192x128xf32, #tpu.memory_space<hbm>> -> memref<8192x128xf32, #tpu.memory_space<hbm>>
    tpu.enqueue_indirect_dma source(%dma_start3A_41 : memref<8192x128xf32, #tpu.memory_space<hbm>>) target(%arg12 : memref<256x128xf32, #tpu.memory_space<vmem>>) offsets(%dma_start3A_38 : memref<256xi32, #tpu.memory_space<vmem>>) semaphore(%arg15 : memref<!tpu.dma_semaphore, #tpu.memory_space<semaphore_mem>>)
    %dma_start3A_42 = arith.constant 256 : i32
    %dma_start3A_43 = tpu.memref_slice %arg10[%dma_start3A_42] : memref<512xi32, #tpu.memory_space<vmem>> -> memref<256xi32, #tpu.memory_space<vmem>>
    %dma_start3A_44 = arith.constant 0 : i32
    %dma_start3A_45 = arith.constant 0 : i32
    %dma_start3A_46 = tpu.memref_slice %arg5[%dma_start3A_44, %dma_start3A_45] : memref<8192x128xf32, #tpu.memory_space<hbm>> -> memref<8192x128xf32, #tpu.memory_space<hbm>>
    tpu.enqueue_indirect_dma source(%dma_start3A_46 : memref<8192x128xf32, #tpu.memory_space<hbm>>) target(%arg13 : memref<256x128xf32, #tpu.memory_space<vmem>>) offsets(%dma_start3A_43 : memref<256xi32, #tpu.memory_space<vmem>>) semaphore(%arg15 : memref<!tpu.dma_semaphore, #tpu.memory_space<semaphore_mem>>)
    %dma_start3A_47 = arith.constant 256 : i32
    %dma_start3A_48 = tpu.memref_slice %arg11[%dma_start3A_47] : memref<512xi32, #tpu.memory_space<vmem>> -> memref<256xi32, #tpu.memory_space<vmem>>
    %dma_start3A_49 = arith.constant 0 : i32
    %dma_start3A_50 = arith.constant 0 : i32
    %dma_start3A_51 = tpu.memref_slice %arg5[%dma_start3A_49, %dma_start3A_50] : memref<8192x128xf32, #tpu.memory_space<hbm>> -> memref<8192x128xf32, #tpu.memory_space<hbm>>
    tpu.enqueue_indirect_dma source(%dma_start3A_51 : memref<8192x128xf32, #tpu.memory_space<hbm>>) target(%arg14 : memref<256x128xf32, #tpu.memory_space<vmem>>) offsets(%dma_start3A_48 : memref<256xi32, #tpu.memory_space<vmem>>) semaphore(%arg15 : memref<!tpu.dma_semaphore, #tpu.memory_space<semaphore_mem>>)
    %dma_wait3A_52 = arith.constant 256 : i32
    %dma_wait3A_53 = tpu.memref_slice %arg9[%dma_wait3A_52] : memref<512xi32, #tpu.memory_space<vmem>> -> memref<256xi32, #tpu.memory_space<vmem>>
    %dma_wait3A_54 = arith.constant 0 : i32
    %dma_wait3A_55 = arith.constant 0 : i32
    %dma_wait3A_56 = tpu.memref_slice %arg5[%dma_wait3A_54, %dma_wait3A_55] : memref<8192x128xf32, #tpu.memory_space<hbm>> -> memref<8192x128xf32, #tpu.memory_space<hbm>>
    tpu.wait_indirect_dma semaphore(%arg15 : memref<!tpu.dma_semaphore, #tpu.memory_space<semaphore_mem>>) src(%dma_wait3A_56 : memref<8192x128xf32, #tpu.memory_space<hbm>>) dst(%arg12 : memref<256x128xf32, #tpu.memory_space<vmem>>)
    %dma_wait3A_57 = arith.constant 256 : i32
    %dma_wait3A_58 = tpu.memref_slice %arg10[%dma_wait3A_57] : memref<512xi32, #tpu.memory_space<vmem>> -> memref<256xi32, #tpu.memory_space<vmem>>
    %dma_wait3A_59 = arith.constant 0 : i32
    %dma_wait3A_60 = arith.constant 0 : i32
    %dma_wait3A_61 = tpu.memref_slice %arg5[%dma_wait3A_59, %dma_wait3A_60] : memref<8192x128xf32, #tpu.memory_space<hbm>> -> memref<8192x128xf32, #tpu.memory_space<hbm>>
    tpu.wait_indirect_dma semaphore(%arg15 : memref<!tpu.dma_semaphore, #tpu.memory_space<semaphore_mem>>) src(%dma_wait3A_61 : memref<8192x128xf32, #tpu.memory_space<hbm>>) dst(%arg13 : memref<256x128xf32, #tpu.memory_space<vmem>>)
    %dma_wait3A_62 = arith.constant 256 : i32
    %dma_wait3A_63 = tpu.memref_slice %arg11[%dma_wait3A_62] : memref<512xi32, #tpu.memory_space<vmem>> -> memref<256xi32, #tpu.memory_space<vmem>>
    %dma_wait3A_64 = arith.constant 0 : i32
    %dma_wait3A_65 = arith.constant 0 : i32
    %dma_wait3A_66 = tpu.memref_slice %arg5[%dma_wait3A_64, %dma_wait3A_65] : memref<8192x128xf32, #tpu.memory_space<hbm>> -> memref<8192x128xf32, #tpu.memory_space<hbm>>
    tpu.wait_indirect_dma semaphore(%arg15 : memref<!tpu.dma_semaphore, #tpu.memory_space<semaphore_mem>>) src(%dma_wait3A_66 : memref<8192x128xf32, #tpu.memory_space<hbm>>) dst(%arg14 : memref<256x128xf32, #tpu.memory_space<vmem>>)
    %add3A_67 = arith.constant 256 : i32
    %add3A_68 = arith.addi %mul3A_2, %add3A_67 : i32
    "tpu.region"() ({
      %run_scoped3A = tpu.sem_alloc : memref<!tpu.dma_semaphore, #tpu.memory_space<semaphore_mem>>
      %dma_start3A_73 = arith.constant 0 : i32
      %dma_start3A_74 = tpu.memref_slice %arg6[%add3A_68, %dma_start3A_73] : memref<16384x128xf32, #tpu.memory_space<hbm>> -> memref<256x128xf32, #tpu.memory_space<hbm>>
      %dma_start3A_75 = arith.constant 0 : i32
      %dma_start3A_76 = tpu.memref_slice %arg6[%add3A_68, %dma_start3A_75] : memref<16384x128xf32, #tpu.memory_space<hbm>> -> memref<256x128xf32, #tpu.memory_space<hbm>>
      tpu.enqueue_dma source(%arg12 : memref<256x128xf32, #tpu.memory_space<vmem>>) target(%dma_start3A_76 : memref<256x128xf32, #tpu.memory_space<hbm>>) target_semaphore(%run_scoped3A : memref<!tpu.dma_semaphore, #tpu.memory_space<semaphore_mem>>)
      %dma_wait3A_77 = arith.constant 0 : i32
      %dma_wait3A_78 = tpu.memref_slice %arg6[%add3A_68, %dma_wait3A_77] : memref<16384x128xf32, #tpu.memory_space<hbm>> -> memref<256x128xf32, #tpu.memory_space<hbm>>
      %dma_wait3A_79 = arith.constant 0 : i32
      %dma_wait3A_80 = tpu.memref_slice %arg6[%add3A_68, %dma_wait3A_79] : memref<16384x128xf32, #tpu.memory_space<hbm>> -> memref<256x128xf32, #tpu.memory_space<hbm>>
      tpu.wait_dma2 semaphore(%run_scoped3A : memref<!tpu.dma_semaphore, #tpu.memory_space<semaphore_mem>>) src(%arg12 : memref<256x128xf32, #tpu.memory_space<vmem>>) dst(%dma_wait3A_80 : memref<256x128xf32, #tpu.memory_space<hbm>>)
      tpu.yield
    }) : () -> ()
    %add3A_69 = arith.constant 256 : i32
    %add3A_70 = arith.addi %mul3A_2, %add3A_69 : i32
    "tpu.region"() ({
      %run_scoped3A = tpu.sem_alloc : memref<!tpu.dma_semaphore, #tpu.memory_space<semaphore_mem>>
      %dma_start3A_73 = arith.constant 0 : i32
      %dma_start3A_74 = tpu.memref_slice %arg7[%add3A_70, %dma_start3A_73] : memref<16384x128xf32, #tpu.memory_space<hbm>> -> memref<256x128xf32, #tpu.memory_space<hbm>>
      %dma_start3A_75 = arith.constant 0 : i32
      %dma_start3A_76 = tpu.memref_slice %arg7[%add3A_70, %dma_start3A_75] : memref<16384x128xf32, #tpu.memory_space<hbm>> -> memref<256x128xf32, #tpu.memory_space<hbm>>
      tpu.enqueue_dma source(%arg13 : memref<256x128xf32, #tpu.memory_space<vmem>>) target(%dma_start3A_76 : memref<256x128xf32, #tpu.memory_space<hbm>>) target_semaphore(%run_scoped3A : memref<!tpu.dma_semaphore, #tpu.memory_space<semaphore_mem>>)
      %dma_wait3A_77 = arith.constant 0 : i32
      %dma_wait3A_78 = tpu.memref_slice %arg7[%add3A_70, %dma_wait3A_77] : memref<16384x128xf32, #tpu.memory_space<hbm>> -> memref<256x128xf32, #tpu.memory_space<hbm>>
      %dma_wait3A_79 = arith.constant 0 : i32
      %dma_wait3A_80 = tpu.memref_slice %arg7[%add3A_70, %dma_wait3A_79] : memref<16384x128xf32, #tpu.memory_space<hbm>> -> memref<256x128xf32, #tpu.memory_space<hbm>>
      tpu.wait_dma2 semaphore(%run_scoped3A : memref<!tpu.dma_semaphore, #tpu.memory_space<semaphore_mem>>) src(%arg13 : memref<256x128xf32, #tpu.memory_space<vmem>>) dst(%dma_wait3A_80 : memref<256x128xf32, #tpu.memory_space<hbm>>)
      tpu.yield
    }) : () -> ()
    %add3A_71 = arith.constant 256 : i32
    %add3A_72 = arith.addi %mul3A_2, %add3A_71 : i32
    "tpu.region"() ({
      %run_scoped3A = tpu.sem_alloc : memref<!tpu.dma_semaphore, #tpu.memory_space<semaphore_mem>>
      %dma_start3A_73 = arith.constant 0 : i32
      %dma_start3A_74 = tpu.memref_slice %arg8[%add3A_72, %dma_start3A_73] : memref<16384x128xf32, #tpu.memory_space<hbm>> -> memref<256x128xf32, #tpu.memory_space<hbm>>
      %dma_start3A_75 = arith.constant 0 : i32
      %dma_start3A_76 = tpu.memref_slice %arg8[%add3A_72, %dma_start3A_75] : memref<16384x128xf32, #tpu.memory_space<hbm>> -> memref<256x128xf32, #tpu.memory_space<hbm>>
      tpu.enqueue_dma source(%arg14 : memref<256x128xf32, #tpu.memory_space<vmem>>) target(%dma_start3A_76 : memref<256x128xf32, #tpu.memory_space<hbm>>) target_semaphore(%run_scoped3A : memref<!tpu.dma_semaphore, #tpu.memory_space<semaphore_mem>>)
      %dma_wait3A_77 = arith.constant 0 : i32
      %dma_wait3A_78 = tpu.memref_slice %arg8[%add3A_72, %dma_wait3A_77] : memref<16384x128xf32, #tpu.memory_space<hbm>> -> memref<256x128xf32, #tpu.memory_space<hbm>>
      %dma_wait3A_79 = arith.constant 0 : i32
      %dma_wait3A_80 = tpu.memref_slice %arg8[%add3A_72, %dma_wait3A_79] : memref<16384x128xf32, #tpu.memory_space<hbm>> -> memref<256x128xf32, #tpu.memory_space<hbm>>
      tpu.wait_dma2 semaphore(%run_scoped3A : memref<!tpu.dma_semaphore, #tpu.memory_space<semaphore_mem>>) src(%arg14 : memref<256x128xf32, #tpu.memory_space<vmem>>) dst(%dma_wait3A_80 : memref<256x128xf32, #tpu.memory_space<hbm>>)
      tpu.yield
    }) : () -> ()
    return
  }
}

module attributes {stable_mosaic.version = 14 : i64} {
  func.func @body(%arg0: i32, %arg1: memref<2048x128xf32, #tpu.memory_space<vmem>>, %arg2: memref<2048x128xf32, #tpu.memory_space<vmem>>, %arg3: memref<2048x128xf32, #tpu.memory_space<vmem>>, %arg4: memref<2048x128xf32, #tpu.memory_space<vmem>>) attributes {dimension_semantics = [#tpu.dimension_semantics<arbitrary>], iteration_bounds = array<i64: 8>, scalar_prefetch = 0 : i64, scratch_operands = 0 : i64, tpu.core_type = #tpu.core_type<tc>, window_params = [{transform_indices = @transform_0, window_bounds = array<i64: 2048, 128>}, {transform_indices = @transform_1, window_bounds = array<i64: 2048, 128>}, {transform_indices = @transform_2, window_bounds = array<i64: 2048, 128>}, {transform_indices = @transform_3, window_bounds = array<i64: 2048, 128>}]} {
    %get3A = arith.constant 0 : index
    %get3A_0 = arith.constant 0 : index
    %get3A_1 = vector.load %arg1[%get3A, %get3A_0] : memref<2048x128xf32, #tpu.memory_space<vmem>>, vector<2048x8xf32>
    %get3A_2 = arith.constant 0 : index
    %get3A_3 = arith.constant 16 : index
    %get3A_4 = vector.load %arg2[%get3A_2, %get3A_3] : memref<2048x128xf32, #tpu.memory_space<vmem>>, vector<2048x28xf32>
    %get3A_5 = arith.constant 0 : index
    %get3A_6 = arith.constant 72 : index
    %get3A_7 = vector.load %arg3[%get3A_5, %get3A_6] : memref<2048x128xf32, #tpu.memory_space<vmem>>, vector<2048x28xf32>
    %get3A_8 = arith.constant 0 : index
    %get3A_9 = arith.constant 8 : index
    %get3A_10 = vector.load %arg1[%get3A_8, %get3A_9] : memref<2048x128xf32, #tpu.memory_space<vmem>>, vector<2048x8xf32>
    %get3A_11 = arith.constant 0 : index
    %get3A_12 = arith.constant 44 : index
    %get3A_13 = vector.load %arg2[%get3A_11, %get3A_12] : memref<2048x128xf32, #tpu.memory_space<vmem>>, vector<2048x28xf32>
    %get3A_14 = arith.constant 0 : index
    %get3A_15 = arith.constant 100 : index
    %get3A_16 = vector.load %arg3[%get3A_14, %get3A_15] : memref<2048x128xf32, #tpu.memory_space<vmem>>, vector<2048x28xf32>
    %concatenate3A = tpu.concatenate %get3A_1, %get3A_4, %get3A_7, %get3A_10, %get3A_13, %get3A_16 in 1 : vector<2048x8xf32>, vector<2048x28xf32>, vector<2048x28xf32>, vector<2048x8xf32>, vector<2048x28xf32>, vector<2048x28xf32> -> vector<2048x128xf32>
    %swap3A = arith.constant 0 : index
    %swap3A_17 = arith.constant 0 : index
    %swap3A_18 = vector.load %arg4[%swap3A, %swap3A_17] : memref<2048x128xf32, #tpu.memory_space<vmem>>, vector<2048x128xf32>
    tpu.vector_store %arg4[%swap3A, %swap3A_17], %concatenate3A {strides = array<i32>} : memref<2048x128xf32, #tpu.memory_space<vmem>>, vector<2048x128xf32>,
    return
  }
  func.func @transform_0(%arg0: i32) -> (i32, i32) {
    %c0_i32 = arith.constant 0 : i32
    %c0_i32_0 = arith.constant 0 : i32
    return %arg0, %c0_i32 : i32, i32
  }
  func.func @transform_1(%arg0: i32) -> (i32, i32) {
    %c0_i32 = arith.constant 0 : i32
    %c0_i32_0 = arith.constant 0 : i32
    return %arg0, %c0_i32 : i32, i32
  }
  func.func @transform_2(%arg0: i32) -> (i32, i32) {
    %c0_i32 = arith.constant 0 : i32
    %c0_i32_0 = arith.constant 0 : i32
    return %arg0, %c0_i32 : i32, i32
  }
  func.func @transform_3(%arg0: i32) -> (i32, i32) {
    %c0_i32 = arith.constant 0 : i32
    %c0_i32_0 = arith.constant 0 : i32
    return %arg0, %c0_i32 : i32, i32
  }
}

</mosaic_0001>

<sc_bundles>
// kernel: kernel.4.cloned.1.call-start
scs
__scs_entry_jumppad:
0x0: {  	(pc) =	sbr.rel $0x88, $3  }
0x1: {  	(tag) =	ssettag $0x0;
	lr =	simm.s32 $0x1  }
0x2: {  	[smem:$0x3F9A] =	sst lr;
	_ =	strace $0xD0000000  }
0x3: {  	_ = 	snop  }
0x4: {  	_ = 	snop  }
0x5: {  	_ = 	snop  }
0x6: {  	_ = 	snop  }
0x7: {  	_ = 	snop  }
__scs_overlays_trampoline_lowered:
0x8: {  	[smem:$0x3FA9] =	sst s0  }
0x9: {  	[smem:$0x3FAA] =	sst s1  }
0xa: {  	[smem:$0x3FAB] =	sst s2  }
0xb: {  	[smem:$0x3FAC] =	sst s3  }
0xc: {  	[smem:$0x3FAD] =	sst s4  }
0xd: {  	[smem:$0x3FAE] =	sst s5  }
0xe: {  	[smem:$0x3FAF] =	sst s6  }
0xf: {  	[smem:$0x3FB0] =	sst s7  }
0x10: {  	[smem:$0x3FB1] =	sst s8  }
0x11: {  	[smem:$0x3FB2] =	sst s9;
	s0 =	simm.s32 @!p0 $0x0  }
0x12: {  	s1 =	sld [smem:$0x3F98];
	s0 =	simm.s32 @p0 $0x1  }
0x13: {  	[smem:$0x3FB3] =	sst s0;
	s0 =	simm.s32 @!p1 $0x0  }
0x14: {  	s2 =	sld [smem:$0x3F97];
	s0 =	simm.s32 @p1 $0x1  }
0x15: {  	[smem:$0x3FB4] =	sst s0;
	s0 =	simm.s32 @!p2 $0x0  }
0x16: {  	s3 =	sld [smem:$0x3FDB];
	s0 =	simm.s32 @p2 $0x1  }
0x17: {  	s4 =	simm.s32 $0x1BF5;
	[smem:$0x3FB6] =	sst s0  }
0x18: {  	s0 =	sld [smem:$0x3F99];
	_ =	swait.ge [sflag:s4], $0x0  }
0x19: {  	s7 =	sld [smem:$0x3F9A]  }
0x1a: {  	s8 =	sadd.s32 $0xFFFFE003, lr  }
0x1b: {  	s9 =	sadd.s32 $0xFFFFFEF7, lr;
	s5 =	simm.s32 $0xFFFFFFFF;
	p2 =	slt.u32 s8, $0xFFFFF086  }
0x1c: {  	p1 =	slt.u32 s9, $0xF7A;
	s5 =	simm.s32 @!p2 $0x0  }
0x1d: {  	s5 =	simm.s32 @p1 $0x1;
	p0 =	seq.s32 s7, s2  }
0x1e: {  	s7 =	smul.u32 @!p0 $0xF7A, s2;
	p2 =	seq.s32 @!p0 s5, $0x0  }
0x1f: {  	s9 =	smul.u32 $0xF7A, s1;
	s8 =	simm.s32 @!p0 $0x1BF5;
	p2 =	por !p2, p0  }
0x20: {  	[sflag:s8] =	ssyncset.s32 @!p0 $0xFFFFF086;
	s6 =	sadd.s32 @!p0 s3, s7;
	s7 =	simm.s32 @!p0 $0x108  }
0x21: {  	s3 =	sadd.s32 s3, s9;
	s6 =	sadd.s32 @!p0 $0x88, s6;
	s7 =	simm.s32 @p2 $0x1082  }
0x22: {  	[simem:s7], [sflag:s8] =	dma.local @!p0 [hbm:s6], $0xF7A  }
0x23: {  	s9 =	sor.u32 $0xD0000000, s2;
	s6 =	simm.s32 $0x108;
	_ =	swait.ge @!p0 [sflag:s8], $0x0  }
0x24: {  	s3 =	sadd.s32 $0x88, s3;
	s6 =	simm.s32 @!p1 $0x1082;
	[sflag:s4] =	ssyncset.s32 $0xFFFFF086  }
0x25: {  	[simem:s6], [sflag:s4] =	dma.local [hbm:s3], $0xF7A  }
0x26: {  	[smem:$0x3F9A] =	sst s1;
	(tag) =	ssettag s2;
	_ =	strace s9  }
0x27: {  	s1 =	sld [smem:$0x3FAA]  }
0x28: {  	s2 =	sld [smem:$0x3FAB]  }
0x29: {  	s4 =	sld [smem:$0x3FAD]  }
0x2a: {  	p0 =	seq.s32 s5, $0x0;
	s5 =	sld [smem:$0x3FAE]  }
0x2b: {  	s6 =	sld [smem:$0x3FAF]  }
0x2c: {  	s7 =	sld [smem:$0x3FB0]  }
0x2d: {  	s3 =	simm.s32 $0x108;
	s8 =	sld [smem:$0x3FB1]  }
0x2e: {  	s3 =	simm.s32 @!p0 $0x1082;
	s9 =	sld [smem:$0x3FB2]  }
0x2f: {  	lr =	sadd.s32 s0, s3;
	s0 =	sld [smem:$0x3FA9]  }
0x30: {  	s3 =	sld [smem:$0x3FAC]  }
0x31: {  	[smem:$0x3FB5] =	sst s10  }
0x32: {  	s10 =	sld [smem:$0x3FB3];
	_ =	sdelay $0x3  }
0x33: {  	p0 =	seq.s32 s10, $0x1;
	s10 =	sld [smem:$0x3FB5];
	_ =	sdelay $0x3  }
0x34: {  	[smem:$0x3FB5] =	sst s10  }
0x35: {  	s10 =	sld [smem:$0x3FB4];
	_ =	sdelay $0x3  }
0x36: {  	p1 =	seq.s32 s10, $0x1;
	s10 =	sld [smem:$0x3FB5];
	_ =	sdelay $0x3  }
0x37: {  	[smem:$0x3FB5] =	sst s10  }
0x38: {  	s10 =	sld [smem:$0x3FB6]  }
0x39: {  	_ = 	snop;
	(pc) =	sbr.ind lr, $3  }
0x3a: {  	_ = 	snop  }
0x3b: {  	_ = 	snop  }
0x3c: {  	p2 =	seq.s32 s10, $0x1;
	s10 =	sld [smem:$0x3FB5]  }
0x3d: {  	_ =	shalt  }
0x3e: {  	_ =	shalt  }
0x3f: {  	_ =	shalt  }
0x40: {  	_ =	shalt  }
0x41: {  	_ =	shalt  }
0x42: {  	_ =	shalt  }
0x43: {  	_ =	shalt  }
0x44: {  	_ =	shalt  }
0x45: {  	_ =	shalt  }
0x46: {  	_ =	shalt  }
0x47: {  	_ =	shalt  }
0x48: {  	_ =	shalt  }
0x49: {  	_ =	shalt  }
0x4a: {  	_ =	shalt  }
0x4b: {  	_ =	shalt  }
0x4c: {  	_ =	shalt  }
0x4d: {  	_ =	shalt  }
0x4e: {  	_ =	shalt  }
0x4f: {  	_ =	shalt  }
0x50: {  	_ =	shalt  }
0x51: {  	_ =	shalt  }
0x52: {  	_ =	shalt  }
0x53: {  	_ =	shalt  }
0x54: {  	_ =	shalt  }
0x55: {  	_ =	shalt  }
0x56: {  	_ =	shalt  }
0x57: {  	_ =	shalt  }
0x58: {  	_ =	shalt  }
0x59: {  	_ =	shalt  }
0x5a: {  	_ =	shalt  }
0x5b: {  	_ =	shalt  }
0x5c: {  	_ =	shalt  }
0x5d: {  	_ =	shalt  }
0x5e: {  	_ =	shalt  }
0x5f: {  	_ =	shalt  }
0x60: {  	_ =	shalt  }
0x61: {  	_ =	shalt  }
0x62: {  	_ =	shalt  }
0x63: {  	_ =	shalt  }
0x64: {  	_ =	shalt  }
0x65: {  	_ =	shalt  }
0x66: {  	_ =	shalt  }
0x67: {  	_ =	shalt  }
0x68: {  	_ =	shalt  }
0x69: {  	_ =	shalt  }
0x6a: {  	_ =	shalt  }
0x6b: {  	_ =	shalt  }
0x6c: {  	_ =	shalt  }
0x6d: {  	_ =	shalt  }
0x6e: {  	_ =	shalt  }
0x6f: {  	_ =	shalt  }
0x70: {  	_ =	shalt  }
0x71: {  	_ =	shalt  }
0x72: {  	_ =	shalt  }
0x73: {  	_ =	shalt  }
0x74: {  	_ =	shalt  }
0x75: {  	_ =	shalt  }
0x76: {  	_ =	shalt  }
0x77: {  	_ =	shalt  }
0x78: {  	_ =	shalt  }
0x79: {  	_ =	shalt  }
0x7a: {  	_ =	shalt  }
0x7b: {  	_ =	shalt  }
0x7c: {  	_ =	shalt  }
0x7d: {  	_ =	shalt  }
0x7e: {  	_ =	shalt  }
0x7f: {  	_ =	shalt  }
0x80: {  	_ =	shalt  }
0x81: {  	_ =	shalt  }
0x82: {  	_ =	shalt  }
0x83: {  	_ =	shalt  }
0x84: {  	_ =	shalt  }
0x85: {  	_ =	shalt  }
0x86: {  	_ =	shalt  }
0x87: {  	_ =	shalt  }
.Lfunc_end0:
.L_simem_size_0:
called_computation_lowered:
.L_overlay_start_0:
0x88: {  	s2 =	sld [smem:$0x3FD9]  }
0x89: {  	s3 =	sld [smem:$0x3FFE];
	_ =	sdelay $0x1  }
0x8a: {  	s1 =	srdreg.scid  }
0x8b: {  	s0 =	sand.u32 $0x1, s1  }
0x8c: {  	s17 =	sshll.u32 s0, $0xA;
	s2 =	sadd.s32 s3, s2  }
0x8d: {  	s2 =	sadd.s32 s2, s17  }
0x8e: {  	[smem:$0x3FC1] =	sst s2  }
0x8f: {  	_ = 	snop  }
0x90: {  	s2 =	sld [smem:$0x3FD0];
	(tm) =	ssettm $0x1  }
0x91: {  	s18 =	sld [smem:$0x3FFB];
	_ =	sdelay $0x3  }
0x92: {  	_ =	strace s18  }
0x93: {  	s3 =	sld [smem:$0x3FFC];
	_ =	sdelay $0x3  }
0x94: {  	_ =	strace s3  }
0x95: {  	s3 =	sld [smem:$0x3FFD];
	_ =	sdelay $0x3  }
0x96: {  	_ =	strace s3  }
0x97: {  	_ =	strace $0x8FFFFFFF  }
0x98: {  	s19 =	sld [smem:$0x3FDB];
	_ =	sdelay $0x1  }
0x99: {  	s4 =	simm.s32 $_scs_section_size  }
0x9a: {  	s5 =	simm.s32 $_size__tile_overlayer_lowered;
	s6 =	simm.s32 $_tile_overlayer_lowered  }
0x9b: {  	s22 =	simm.s32 $0x1BFF;
	s21 =	sshll.u32 s6, $0x1;
	s3 =	sadd.s32 s4, s19  }
0x9c: {  	s7 =	simm.s32 $0x0;
	s20 =	sshll.u32 s5, $0x1;
	s5 =	sadd.s32 s21, s3  }
0x9d: {  	[timem:s7], [sflag:s22] =	dma.local [hbm:s5], s20  }
0x9e: {  	_ =	swait.ge [sflag:s22], s20  }
0x9f: {  	s4 =	ssub.s32 $0x0, s20;
	[sflag:s22] =	ssyncset.done $0x0  }
0xa0: {  	[sflag:s22] =	ssyncadd.s32 s4;
	_ =	sdelay $0x1  }
0xa1: {  	s23 =	simm.s32 $0x1B8B  }
0xa2: {  	_ =	swait.ge [sflag:s23], $0x1  }
0xa3: {  	[sflag:s23] =	ssyncset.done $0x0  }
0xa4: {  	s25 =	simm.s32 $0x1B8E;
	s24 =	sld [smem:$0x3FFE];
	[sflag:s23] =	ssyncadd.s32 $0xFFFFFFFF  }
0xa5: {  	s26 =	simm.s32 $execute0_lowered;
	[smem:$0x3FD2] =	sst s25  }
0xa6: {  	s5 =	sshll.u32 s26, $0x1;
	_ =	strace $0x80000046;
	[dreg:$0x1] =	wrdreg $0xFFFFFFFF  }
0xa7: {  	s28 =	simm.s32 $_size_execute0_lowered;
	s3 =	sadd.s32 s3, s5;
	[dreg:$0x0] =	wrdreg $0x0  }
0xa8: {  	s5 =	sshll.u32 s28, $0x1;
	[dreg:$0x2] =	wrdreg s3  }
0xa9: {  	[dreg:$0x3] =	wrdreg s5  }
0xaa: {  	[dreg:$0x4] =	wrdreg $0xC0  }
0xab: {  	_ =	task [dreg:s7], $0x5FFFF  }
0xac: {  	[dreg:$0x1] =	wrdreg $0xFFFFFFFF  }
0xad: {  	[dreg:$0x0] =	wrdreg $0x60  }
0xae: {  	[dreg:$0x2] =	wrdreg s24  }
0xaf: {  	[dreg:$0x3] =	wrdreg s2  }
0xb0: {  	[dreg:$0x4] =	wrdreg $0x9  }
0xb1: {  	_ =	task.clear_ibuf [dreg:s7], $0x5FFFF;
	_ =	strace $0x90000046  }
0xb2: {  	s29 =	simm.s32 $0x9;
	_ =	strace $0x80000048  }
0xb3: {  	_ =	swait.ge [sflag:s29], $0x1  }
0xb4: {  	[sflag:s29] =	ssyncadd.s32 $0xFFFFFFFF  }
0xb5: {  	_ =	strace $0x90000048  }
0xb6: {  	_ =	sfence  }
0xb7: {  	s30 =	sld [smem:$0x0];
	_ =	sdelay $0x2  }
0xb8: {  	s31 =	sshll.u32 s1, $0xD;
	s1 =	sshrl.u32 s1, $0x2  }
0xb9: {  	s3 =	sand.u32 $0x4000, s31;
	s1 =	sadd.s32 s1, s30  }
0xba: {  	s0 =	sor.u32 s3, s0;
	s1 =	sshll.u32 s1, $0x11  }
0xbb: {  	s0 =	sor.u32 s1, s0  }
0xbc: {  	s0 =	sadd.s32 $0x8F2B, s0  }
0xbd: {  	[sflag:s0] =	ssyncadd.remote.s32 $0x1  }
0xbe: {  	_ =	sfence.sel $0xFFFF  }
0xbf: {  	[dreg:$0x0] =	wrdreg $0xFFFFFFFF;
	(pc) =	sbr.abs _section_cstart, $3  }
0xc0: {  	[dreg:$0x1] =	wrdreg $0xFFFFFFFF  }
0xc1: {  	_ =	task.clear_ibuf [dreg:s7], $0x2FFFF;
	_ =	strace $0x9FFFFFFF  }
0xc2: {  	(tm) =	ssettm $0x7FFFFFFF  }
0xc3: {  	_ =	shalt  }
tec
execute0_lowered:
.L_overlay_start_1:
0x0: {  	(tag) =	ssettag $0x1  }
0x1: {  	s1 =	srdreg.scid  }
0x2: {  	s0 =	stileid.u32;
	s21 =	sand.u32 $0x1, s1  }
0x3: {  	s17 =	rddreg [dreg:$0x0];
	s30 =	sshll.u32 s0, $0xA;
	s2 =	sshll.u32 s21, $0x9  }
0x4: {  	s20 =	rddreg [dreg:$0x1];
	s15 =	sor.u32 s2, s30  }
0x5: {  	s1 =	rddreg [dreg:$0x2];
	s2 =	simm.s32 $0x0;
	s3 =	sshrl.u32 s15, $0x3  }
0x6: {  	[smem:$0x7FF] =	sst s2;
	s7 =	sadd.s32 s3, s17  }
0x7: {  	_ =	strace $0x80000047;
	s3 =	simm.s32 $0x2;
	s4 =	sadd.s32 $0x2800, s7  }
0x8: {  	[tilespmem:s2], [sflag:$0x2] =	stream.linear.gather [hbm4b:s4+s2], $0x200, $0x38;
	[tilespmem:$0x18600] =	vst v63  }
0x9: {  	_ =	swait.ge [sflag:s3], $0x200  }
0xa: {  	[sflag:s3] =	ssyncset.done $0x0  }
0xb: {  	s6 =	simm.s32 $0x200;
	s5 =	sadd.s32 $0x2000, s7;
	[sflag:s3] =	ssyncadd.s32 $0xFFFFFE00  }
0xc: {  	[tilespmem:s6], [sflag:$0x2] =	stream.linear.gather [hbm4b:s5+s2], $0x200, $0x38;
	[tilespmem:$0x18600] =	vst v63  }
0xd: {  	_ =	swait.ge [sflag:s3], $0x200  }
0xe: {  	[sflag:s3] =	ssyncset.done $0x0  }
0xf: {  	s8 =	simm.s32 $0x400;
	s7 =	sadd.s32 $0x1800, s7;
	[sflag:s3] =	ssyncadd.s32 $0xFFFFFE00  }
0x10: {  	[tilespmem:s8], [sflag:$0x2] =	stream.linear.gather [hbm4b:s7+s2], $0x200, $0x38;
	[tilespmem:$0x18600] =	vst v63  }
0x11: {  	_ =	swait.ge [sflag:s3], $0x200  }
0x12: {  	s10 =	simm.s32 $0x100;
	[sflag:s3] =	ssyncset.done $0x0  }
0x13: {  	s11 =	simm.s32 $0x600;
	s9 =	sadd.s32 $0x3000, s17;
	[sflag:s3] =	ssyncadd.s32 $0xFFFFFE00  }
0x14: {  	[tilespmem:s11], [sflag:$0x1] =	stream.indirect.gather [hbm4b:s9+s10], $0x80, s2, s10, $0xb8;
	[tilespmem:$0x18600] =	vst v63  }
0x15: {  	s12 =	simm.s32 $0x8600  }
0x16: {  	[tilespmem:s12], [sflag:$0x1] =	stream.indirect.gather [hbm4b:s9+s10], $0x80, s6, s10, $0xb8;
	[tilespmem:$0x18600] =	vst v63  }
0x17: {  	s13 =	simm.s32 $0x10600;
	s14 =	simm.s32 $0x1  }
0x18: {  	[tilespmem:s13], [sflag:$0x1] =	stream.indirect.gather [hbm4b:s9+s10], $0x80, s8, s10, $0xb8;
	[tilespmem:$0x18600] =	vst v63  }
0x19: {  	_ =	swait.ge [sflag:s14], $0x8000  }
0x1a: {  	[sflag:s14] =	ssyncset.done $0x0  }
0x1b: {  	[sflag:s14] =	ssyncadd.s32 $0xFFFF8000  }
0x1c: {  	_ =	swait.ge [sflag:s14], $0x8000  }
0x1d: {  	[sflag:s14] =	ssyncset.done $0x0  }
0x1e: {  	[sflag:s14] =	ssyncadd.s32 $0xFFFF8000  }
0x1f: {  	_ =	swait.ge [sflag:s14], $0x8000  }
0x20: {  	s22 =	sshll.u32 s15, $0x4;
	[sflag:s14] =	ssyncset.done $0x0  }
0x21: {  	s15 =	sadd.s32 s20, s22;
	[sflag:s14] =	ssyncadd.s32 $0xFFFF8000  }
0x22: {  	[hbm4b:s15+s2] =	stream.linear.scatter [tilespmem:s11], [sflag:$0x2], $0x8000, $0x38;
	[tilespmem:$0x18600] =	vst v63  }
0x23: {  	_ =	swait.ge [sflag:s3], $0x8000  }
0x24: {  	s23 =	sadd.s32 $0x23000, s17;
	[sflag:s3] =	ssyncset.done $0x0  }
0x25: {  	s16 =	sadd.s32 s23, s22;
	[sflag:s3] =	ssyncadd.s32 $0xFFFF8000  }
0x26: {  	[hbm4b:s16+s2] =	stream.linear.scatter [tilespmem:s12], [sflag:$0x2], $0x8000, $0x38;
	[tilespmem:$0x18600] =	vst v63  }
0x27: {  	_ =	swait.ge [sflag:s3], $0x8000  }
0x28: {  	s24 =	sadd.s32 $0x63000, s17;
	[sflag:s3] =	ssyncset.done $0x0  }
0x29: {  	s17 =	sadd.s32 s24, s22;
	[sflag:s3] =	ssyncadd.s32 $0xFFFF8000  }
0x2a: {  	[hbm4b:s17+s2] =	stream.linear.scatter [tilespmem:s13], [sflag:$0x2], $0x8000, $0x38;
	[tilespmem:$0x18600] =	vst v63  }
0x2b: {  	_ =	swait.ge [sflag:s3], $0x8000  }
0x2c: {  	[sflag:s3] =	ssyncset.done $0x0  }
0x2d: {  	[sflag:s3] =	ssyncadd.s32 $0xFFFF8000  }
0x2e: {  	[tilespmem:s11], [sflag:$0x1] =	stream.indirect.gather [hbm4b:s9+s10], $0x80, s10, s10, $0xb8;
	[tilespmem:$0x18600] =	vst v63  }
0x2f: {  	s18 =	simm.s32 $0x300  }
0x30: {  	[tilespmem:s12], [sflag:$0x1] =	stream.indirect.gather [hbm4b:s9+s10], $0x80, s18, s10, $0xb8;
	[tilespmem:$0x18600] =	vst v63  }
0x31: {  	s19 =	simm.s32 $0x500  }
0x32: {  	[tilespmem:s13], [sflag:$0x1] =	stream.indirect.gather [hbm4b:s9+s10], $0x80, s19, s10, $0xb8;
	[tilespmem:$0x18600] =	vst v63  }
0x33: {  	_ =	swait.ge [sflag:s14], $0x8000  }
0x34: {  	[sflag:s14] =	ssyncset.done $0x0  }
0x35: {  	[sflag:s14] =	ssyncadd.s32 $0xFFFF8000  }
0x36: {  	_ =	swait.ge [sflag:s14], $0x8000  }
0x37: {  	[sflag:s14] =	ssyncset.done $0x0  }
0x38: {  	[sflag:s14] =	ssyncadd.s32 $0xFFFF8000  }
0x39: {  	_ =	swait.ge [sflag:s14], $0x8000  }
0x3a: {  	s22 =	sor.u32 $0x1000, s22;
	[sflag:s14] =	ssyncset.done $0x0  }
0x3b: {  	s25 =	ssub.s32 $0x2, s21;
	s20 =	sadd.s32 s20, s22;
	[sflag:s14] =	ssyncadd.s32 $0xFFFF8000  }
0x3c: {  	[hbm4b:s20+s2] =	stream.linear.scatter [tilespmem:s11], [sflag:$0x2], $0x8000, $0x38;
	[tilespmem:$0x18600] =	vst v63  }
0x3d: {  	s31 =	sshrl.u32 s25, $0x1;
	_ =	swait.ge [sflag:s3], $0x8000  }
0x3e: {  	s21 =	sadd.s32 s23, s22;
	s23 =	ssub.s32 s25, s31;
	[sflag:s3] =	ssyncset.done $0x0  }
0x3f: {  	s23 =	smax.u32 s23, $0x1;
	[sflag:s3] =	ssyncadd.s32 $0xFFFF8000  }
0x40: {  	[hbm4b:s21+s2] =	stream.linear.scatter [tilespmem:s12], [sflag:$0x2], $0x8000, $0x38;
	[tilespmem:$0x18600] =	vst v63  }
0x41: {  	p0 =	sne.s32 s23, $0x1;
	_ =	swait.ge [sflag:s3], $0x8000  }
.Ltmp0:
0x42: {  	[sflag:s3] =	ssyncset.done $0x0;
	(pc) =	sbr.rel @!p0 .LBB2_2-.Ltmp0, $4  }
0x43: {  	s22 =	sadd.s32 s24, s22;
	[sflag:s3] =	ssyncadd.s32 $0xFFFF8000  }
0x44: {  	[hbm4b:s22+s2] =	stream.linear.scatter [tilespmem:s13], [sflag:$0x2], $0x8000, $0x38;
	[tilespmem:$0x18600] =	vst v63  }
0x45: {  	_ =	swait.ge [sflag:s3], $0x8000  }
0x46: {  	s23 =	sadd.s32 $0xFFFFFFFF, s23;
	[sflag:s3] =	ssyncset.done $0x0  }
.LBB2_1:
0x47: {  	p0 =	sne.s32 s23, $0x1;
	s23 =	sadd.s32 $0xFFFFFFFF, s23;
	[sflag:s3] =	ssyncadd.s32 $0xFFFF8000  }
0x48: {  	[tilespmem:s2], [sflag:$0x2] =	stream.linear.gather [hbm4b:s4+s2], $0x200, $0x38;
	[tilespmem:$0x18600] =	vst v63  }
0x49: {  	_ =	swait.ge [sflag:s3], $0x200  }
0x4a: {  	[sflag:s3] =	ssyncset.done $0x0  }
0x4b: {  	[sflag:s3] =	ssyncadd.s32 $0xFFFFFE00  }
0x4c: {  	[tilespmem:s6], [sflag:$0x2] =	stream.linear.gather [hbm4b:s5+s2], $0x200, $0x38;
	[tilespmem:$0x18600] =	vst v63  }
0x4d: {  	_ =	swait.ge [sflag:s3], $0x200  }
0x4e: {  	[sflag:s3] =	ssyncset.done $0x0  }
0x4f: {  	[sflag:s3] =	ssyncadd.s32 $0xFFFFFE00  }
0x50: {  	[tilespmem:s8], [sflag:$0x2] =	stream.linear.gather [hbm4b:s7+s2], $0x200, $0x38;
	[tilespmem:$0x18600] =	vst v63  }
0x51: {  	_ =	swait.ge [sflag:s3], $0x200  }
0x52: {  	[sflag:s3] =	ssyncset.done $0x0  }
0x53: {  	[sflag:s3] =	ssyncadd.s32 $0xFFFFFE00  }
0x54: {  	[tilespmem:s11], [sflag:$0x1] =	stream.indirect.gather [hbm4b:s9+s10], $0x80, s2, s10, $0xb8;
	[tilespmem:$0x18600] =	vst v63  }
0x55: {  	_ = 	snop  }
0x56: {  	[tilespmem:s12], [sflag:$0x1] =	stream.indirect.gather [hbm4b:s9+s10], $0x80, s6, s10, $0xb8;
	[tilespmem:$0x18600] =	vst v63  }
0x57: {  	_ = 	snop  }
0x58: {  	[tilespmem:s13], [sflag:$0x1] =	stream.indirect.gather [hbm4b:s9+s10], $0x80, s8, s10, $0xb8;
	[tilespmem:$0x18600] =	vst v63  }
0x59: {  	_ =	swait.ge [sflag:s14], $0x8000  }
0x5a: {  	[sflag:s14] =	ssyncset.done $0x0  }
0x5b: {  	[sflag:s14] =	ssyncadd.s32 $0xFFFF8000  }
0x5c: {  	_ =	swait.ge [sflag:s14], $0x8000  }
0x5d: {  	[sflag:s14] =	ssyncset.done $0x0  }
0x5e: {  	[sflag:s14] =	ssyncadd.s32 $0xFFFF8000  }
0x5f: {  	_ =	swait.ge [sflag:s14], $0x8000  }
0x60: {  	[sflag:s14] =	ssyncset.done $0x0  }
0x61: {  	[sflag:s14] =	ssyncadd.s32 $0xFFFF8000  }
0x62: {  	[hbm4b:s15+s2] =	stream.linear.scatter [tilespmem:s11], [sflag:$0x2], $0x8000, $0x38;
	[tilespmem:$0x18600] =	vst v63  }
0x63: {  	_ =	swait.ge [sflag:s3], $0x8000  }
0x64: {  	[sflag:s3] =	ssyncset.done $0x0  }
0x65: {  	[sflag:s3] =	ssyncadd.s32 $0xFFFF8000  }
0x66: {  	[hbm4b:s16+s2] =	stream.linear.scatter [tilespmem:s12], [sflag:$0x2], $0x8000, $0x38;
	[tilespmem:$0x18600] =	vst v63  }
0x67: {  	_ =	swait.ge [sflag:s3], $0x8000  }
0x68: {  	[sflag:s3] =	ssyncset.done $0x0  }
0x69: {  	[sflag:s3] =	ssyncadd.s32 $0xFFFF8000  }
0x6a: {  	[hbm4b:s17+s2] =	stream.linear.scatter [tilespmem:s13], [sflag:$0x2], $0x8000, $0x38;
	[tilespmem:$0x18600] =	vst v63  }
0x6b: {  	_ =	swait.ge [sflag:s3], $0x8000  }
0x6c: {  	[sflag:s3] =	ssyncset.done $0x0  }
0x6d: {  	[sflag:s3] =	ssyncadd.s32 $0xFFFF8000  }
0x6e: {  	[tilespmem:s11], [sflag:$0x1] =	stream.indirect.gather [hbm4b:s9+s10], $0x80, s10, s10, $0xb8;
	[tilespmem:$0x18600] =	vst v63  }
0x6f: {  	_ = 	snop  }
0x70: {  	[tilespmem:s12], [sflag:$0x1] =	stream.indirect.gather [hbm4b:s9+s10], $0x80, s18, s10, $0xb8;
	[tilespmem:$0x18600] =	vst v63  }
0x71: {  	_ = 	snop  }
0x72: {  	[tilespmem:s13], [sflag:$0x1] =	stream.indirect.gather [hbm4b:s9+s10], $0x80, s19, s10, $0xb8;
	[tilespmem:$0x18600] =	vst v63  }
0x73: {  	_ =	swait.ge [sflag:s14], $0x8000  }
0x74: {  	[sflag:s14] =	ssyncset.done $0x0  }
0x75: {  	[sflag:s14] =	ssyncadd.s32 $0xFFFF8000  }
0x76: {  	_ =	swait.ge [sflag:s14], $0x8000  }
0x77: {  	[sflag:s14] =	ssyncset.done $0x0  }
0x78: {  	[sflag:s14] =	ssyncadd.s32 $0xFFFF8000  }
0x79: {  	_ =	swait.ge [sflag:s14], $0x8000  }
0x7a: {  	[sflag:s14] =	ssyncset.done $0x0  }
0x7b: {  	[sflag:s14] =	ssyncadd.s32 $0xFFFF8000  }
0x7c: {  	[hbm4b:s20+s2] =	stream.linear.scatter [tilespmem:s11], [sflag:$0x2], $0x8000, $0x38;
	[tilespmem:$0x18600] =	vst v63  }
0x7d: {  	_ =	swait.ge [sflag:s3], $0x8000  }
0x7e: {  	[sflag:s3] =	ssyncset.done $0x0  }
0x7f: {  	[sflag:s3] =	ssyncadd.s32 $0xFFFF8000  }
0x80: {  	[hbm4b:s21+s2] =	stream.linear.scatter [tilespmem:s12], [sflag:$0x2], $0x8000, $0x38;
	[tilespmem:$0x18600] =	vst v63  }
0x81: {  	_ =	swait.ge [sflag:s3], $0x8000  }
.Ltmp1:
0x82: {  	[sflag:s3] =	ssyncset.done $0x0;
	(pc) =	sbr.rel @p0 .LBB2_1-.Ltmp1, $4  }
0x83: {  	[sflag:s3] =	ssyncadd.s32 $0xFFFF8000  }
0x84: {  	[hbm4b:s22+s2] =	stream.linear.scatter [tilespmem:s13], [sflag:$0x2], $0x8000, $0x38;
	[tilespmem:$0x18600] =	vst v63  }
0x85: {  	_ =	swait.ge [sflag:s3], $0x8000  }
0x86: {  	[sflag:s3] =	ssyncset.done $0x0  }
.LBB2_2:
0x87: {  	[sflag:s3] =	ssyncadd.s32 $0xFFFF8000  }
0x88: {  	_ =	sfence.sel $0x180000  }
0x89: {  	[bflag:$0x0] =	sbarrier.arrive $0xFFFF  }
0x8a: {  	p0 =	sne.s32 s0, $0x0;
	_ =	strace $0x90000047  }
0x8b: {  	s0 =	sadd.s32 @!p0 $0x100000, s1;
	[bflag:$0x2] =	sbarrier.arrive $0xFFFF  }
0x8c: {  	[sflag:s0] =	ssyncadd.tile.s32 @!p0 $0x1;
	_ =	shalt  }
.Lfunc_end2:
_tile_overlayer_lowered:
.L_overlay_start_2:
0x8d: {  	(tag) =	ssettag $0x2  }
0x8e: {  	s0 =	rddreg [dreg:$0x0];
	s2 =	stileid.u32  }
0x8f: {  	s1 =	rddreg [dreg:$0x1];
	p0 =	sne.s32 s2, $0x0  }
0x90: {  	s3 =	rddreg [dreg:$0x2];
	[bflag:$0x3] =	sbarrier.arrive $0xFFFF;
	s2 =	simm.s32 @!p0 $0x1C02  }
0x91: {  	[timem:s3], [sflag:s2] =	dma.local @!p0 [hbm:s0], s1  }
0x92: {  	s0 =	simm.s32 @!p0 $0x2  }
0x93: {  	_ =	swait.ge @!p0 [sflag:s0], s1  }
0x94: {  	s1 =	ssub.s32 @!p0 $0x0, s1;
	[sflag:s0] =	ssyncset.done @!p0 $0x0  }
0x95: {  	[sflag:s0] =	ssyncadd.s32 @!p0 s1  }
0x96: {  	[bflag:$0x3] =	sbarrier.arrive $0xFFFF  }
0x97: {  	_ =	shalt  }

</sc_bundles>
